<compile_context>
chip_gen: v7x
topology: tpu7x:2x2x1
jax: 0.10.2.dev20260603
libtpu: 0.0.44.dev20260713+nightly
codegen_flags: <defaults>
</compile_context>

<pallas_src>
import functools

import jax
import jax.numpy as jnp
from jax import lax
from jax.experimental import pallas as pl
from jax.experimental.pallas import tpu as pltpu
from jax.experimental.pallas import tpu_sc as plsc

DATES, TIMES, B = 5000, 1000, 16384

_NC = 2
_NS = 16
_L = 16
_NW = _NC * _NS
_BPW = B // _NW
_CHUNKS = _BPW // _L
_GCH = _BPW // 128

_mesh = plsc.VectorSubcoreMesh(core_axis_name="c", subcore_axis_name="s")


@functools.partial(
    pl.kernel,
    out_type=jax.ShapeDtypeStruct((B,), jnp.float32),
    mesh=_mesh,
    scratch_types=[
        pltpu.VMEM((_BPW,), jnp.int32),
        pltpu.VMEM((_BPW,), jnp.int32),
        pltpu.VMEM((_BPW,), jnp.float32),
        pltpu.VMEM((_BPW,), jnp.float32),
        pltpu.VMEM((_BPW,), jnp.float32),
        pltpu.VMEM((_BPW,), jnp.int32),
        pltpu.VMEM((_BPW,), jnp.float32),
        pltpu.VMEM((_BPW,), jnp.float32),
        pltpu.SemaphoreType.DMA,
    ],
)
def _stop_loss_sc(d_hbm, t_hbm, pos_hbm, prev_hbm, act_hbm, table_hbm,
                  out_hbm, d_v, t_v, pos_v, prev_v, act_v, idx_v, g_v, o_v,
                  sem):
    wid = lax.axis_index("s") * _NC + lax.axis_index("c")
    base = wid * _BPW

    pltpu.sync_copy(d_hbm.at[pl.ds(base, _BPW)], d_v)
    pltpu.sync_copy(t_hbm.at[pl.ds(base, _BPW)], t_v)
    pltpu.sync_copy(pos_hbm.at[pl.ds(base, _BPW)], pos_v)
    pltpu.sync_copy(prev_hbm.at[pl.ds(base, _BPW)], prev_v)
    pltpu.sync_copy(act_hbm.at[pl.ds(base, _BPW)], act_v)

    def idx_body(i, _):
        s = pl.ds(pl.multiple_of(i * _L, _L), _L)
        pos = pos_v[s]
        act = act_v[s]
        t = t_v[s]
        p2 = jnp.where(pos == 0.0, jnp.int32(10000000), jnp.int32(0))
        dirn = jnp.sign(pos + act)
        q = jnp.where(dirn > 0.0, jnp.int32(5000000), jnp.int32(0))
        idx_v[s] = d_v[s] * 1000 + p2 + q + t
        return 0

    lax.fori_loop(0, _CHUNKS, idx_body, 0)

    copies = [
        pltpu.async_copy(table_hbm.at[idx_v.at[pl.ds(j * 128, 128)]],
                         g_v.at[pl.ds(j * 128, 128)], sem)
        for j in range(_GCH)
    ]
    for c in copies:
        c.wait()

    def out_body(i, _):
        s = pl.ds(pl.multiple_of(i * _L, _L), _L)
        pos = pos_v[s]
        act = act_v[s]
        pv = prev_v[s]
        g = g_v[s]
        dirn = jnp.sign(pos + act)
        prev_stop = jnp.where(
            pv != pv,
            jnp.where(dirn != 0.0, jnp.float32(-jnp.inf) * dirn, pv), pv)
        sp = jnp.where(dirn > 0.0, jnp.maximum(prev_stop, g),
                       jnp.minimum(prev_stop, g))
        o_v[s] = jnp.where(sp != sp, prev_stop,
                           jnp.where(dirn == 0.0, prev_stop, sp))
        return 0

    lax.fori_loop(0, _CHUNKS, out_body, 0)

    pltpu.sync_copy(o_v, out_hbm.at[pl.ds(base, _BPW)])


def kernel(date_idx, time_idx, position, prev_stop_loss, action,
           potential_stops):
    flat = jnp.transpose(potential_stops, (2, 3, 0, 1)).reshape(-1)
    return _stop_loss_sc(date_idx.astype(jnp.int32),
                         time_idx.astype(jnp.int32),
                         position, prev_stop_loss, action, flat)

# --- scband reference (transcript-rebuilt; emitter-appended) ---
"""Pipeline reference for scband-artr-stop-loss-policy-83305185673534 (READ-ONLY COPY).

The authoritative reference and input builder live on the scoring server;
editing this copy changes nothing except your own understanding.
"""

import jax, jax.numpy as jnp
import numpy as np

DATES, TIMES, B = 5000, 1000, 16384
ATR_MULTIPLE = 2.0


def _build_potential_stops(data, artr):
    # Faithful port of ArtrStopLossPolicy._precompute_potential_stops
    artr_s = artr * ATR_MULTIPLE + 1.0
    # pos_is_zero=0, dir_positive=0 -> channel 2, multiply
    p00 = data[:, :, 2] * artr_s
    # pos_is_zero=0, dir_positive=1 -> channel 1, divide
    p01 = data[:, :, 1] / artr_s
    # pos_is_zero=1, dir_positive=0 -> channel 0, multiply
    p10 = data[:, :, 0] * artr_s
    # pos_is_zero=1, dir_positive=1 -> channel 0, divide
    p11 = data[:, :, 0] / artr_s
    return jnp.stack([jnp.stack([p00, p01], axis=-1),
                      jnp.stack([p10, p11], axis=-1)], axis=2)


def setup_inputs(seed: int = 0) -> dict:
    key = jax.random.key(seed)
    k1, k2, k3, k4, k5, k6, k7 = jax.random.split(key, 7)
    data = jax.random.uniform(k1, (DATES, TIMES, 3), minval=50.0, maxval=150.0, dtype=jnp.float32)
    artr = jax.random.uniform(k2, (DATES, TIMES), minval=0.001, maxval=0.02, dtype=jnp.float32)
    potential_stops = _build_potential_stops(data, artr)
    date_idx = jax.random.randint(k3, (B,), 0, DATES)
    time_idx = jax.random.randint(k4, (B,), 0, TIMES)
    position = jax.random.randint(k5, (B,), -1, 2).astype(jnp.float32)
    prev_stop_loss = jax.random.uniform(k6, (B,), minval=50.0, maxval=150.0, dtype=jnp.float32)
    action = jax.random.randint(k7, (B,), -1, 2).astype(jnp.float32)
    return {"date_idx": date_idx, "time_idx": time_idx, "position": position,
            "prev_stop_loss": prev_stop_loss, "action": action,
            "potential_stops": potential_stops}


def reference(date_idx, time_idx, position, prev_stop_loss, action, potential_stops):
    direction = jnp.sign(position + action)
    prev_stop = jnp.where(jnp.isnan(prev_stop_loss) & (direction != 0),
                          jnp.inf * direction * -1.0, prev_stop_loss)
    pos_is_zero = (position == 0).astype(jnp.int32)
    dir_positive = (direction > 0).astype(jnp.int32)
    potential_stop = potential_stops[date_idx, time_idx, pos_is_zero, dir_positive]
    stop_price = jnp.where(direction > 0,
                           jnp.maximum(prev_stop, potential_stop),
                           jnp.minimum(prev_stop, potential_stop))
    stop_price = jnp.where(jnp.isnan(stop_price) | (direction == 0), prev_stop, stop_price)
    return stop_price

if __name__ == "__main__":
    import jax
    _d = setup_inputs()
    print(jax.jit(kernel)(*tuple(_d.values())))

</pallas_src>

<mosaic_0001>
#map = affine_map<(d0, d1) -> (0)>
module attributes {stable_mosaic.version = 14 : i64} {
  func.func @_stop_loss_sc(%arg0: i32, %arg1: i32, %arg2: memref<16384xi32, #tpu.memory_space<hbm>>, %arg3: memref<16384xi32, #tpu.memory_space<hbm>>, %arg4: memref<16384xf32, #tpu.memory_space<hbm>>, %arg5: memref<16384xf32, #tpu.memory_space<hbm>>, %arg6: memref<16384xf32, #tpu.memory_space<hbm>>, %arg7: memref<20000000xf32, #tpu.memory_space<hbm>>, %arg8: memref<16384xf32, #tpu.memory_space<hbm>>, %arg9: memref<512xi32, #tpu.memory_space<vmem>>, %arg10: memref<512xi32, #tpu.memory_space<vmem>>, %arg11: memref<512xf32, #tpu.memory_space<vmem>>, %arg12: memref<512xf32, #tpu.memory_space<vmem>>, %arg13: memref<512xf32, #tpu.memory_space<vmem>>, %arg14: memref<512xi32, #tpu.memory_space<vmem>>, %arg15: memref<512xf32, #tpu.memory_space<vmem>>, %arg16: memref<512xf32, #tpu.memory_space<vmem>>, %arg17: memref<!tpu.dma_semaphore, #tpu.memory_space<semaphore_mem>>) attributes {dimension_semantics = [#tpu.dimension_semantics<core_parallel>, #tpu.dimension_semantics<subcore_parallel>], iteration_bounds = array<i64: 2, 16>, scalar_prefetch = 0 : i64, scratch_operands = 9 : i64, tpu.core_type = #tpu.core_type<sc_vector_subcore>, window_params = [{transform_indices = #map}, {transform_indices = #map}, {transform_indices = #map}, {transform_indices = #map}, {transform_indices = #map}, {transform_indices = #map}, {transform_indices = #map}]} {
    %mul3A = arith.constant 2 : i32
    %mul3A_0 = arith.muli %arg1, %mul3A : i32
    %add3A = arith.addi %mul3A_0, %arg0 : i32
    %mul3A_1 = arith.constant 512 : i32
    %mul3A_2 = arith.muli %add3A, %mul3A_1 : i32
    "tpu.region"() ({
      %run_scoped3A = tpu.sem_alloc : memref<!tpu.dma_semaphore, #tpu.memory_space<semaphore_mem>>
      %dma_start3A_62 = tpu.memref_slice %arg2[%mul3A_2] : memref<16384xi32, #tpu.memory_space<hbm>> -> memref<512xi32, #tpu.memory_space<hbm>>
      %dma_start3A_63 = tpu.memref_slice %arg2[%mul3A_2] : memref<16384xi32, #tpu.memory_space<hbm>> -> memref<512xi32, #tpu.memory_space<hbm>>
      tpu.enqueue_dma source(%dma_start3A_63 : memref<512xi32, #tpu.memory_space<hbm>>) target(%arg9 : memref<512xi32, #tpu.memory_space<vmem>>) target_semaphore(%run_scoped3A : memref<!tpu.dma_semaphore, #tpu.memory_space<semaphore_mem>>)
      %dma_wait3A_64 = tpu.memref_slice %arg2[%mul3A_2] : memref<16384xi32, #tpu.memory_space<hbm>> -> memref<512xi32, #tpu.memory_space<hbm>>
      %dma_wait3A_65 = tpu.memref_slice %arg2[%mul3A_2] : memref<16384xi32, #tpu.memory_space<hbm>> -> memref<512xi32, #tpu.memory_space<hbm>>
      tpu.wait_dma2 semaphore(%run_scoped3A : memref<!tpu.dma_semaphore, #tpu.memory_space<semaphore_mem>>) src(%dma_wait3A_65 : memref<512xi32, #tpu.memory_space<hbm>>) dst(%arg9 : memref<512xi32, #tpu.memory_space<vmem>>)
      tpu.yield
    }) : () -> ()
    "tpu.region"() ({
      %run_scoped3A = tpu.sem_alloc : memref<!tpu.dma_semaphore, #tpu.memory_space<semaphore_mem>>
      %dma_start3A_62 = tpu.memref_slice %arg3[%mul3A_2] : memref<16384xi32, #tpu.memory_space<hbm>> -> memref<512xi32, #tpu.memory_space<hbm>>
      %dma_start3A_63 = tpu.memref_slice %arg3[%mul3A_2] : memref<16384xi32, #tpu.memory_space<hbm>> -> memref<512xi32, #tpu.memory_space<hbm>>
      tpu.enqueue_dma source(%dma_start3A_63 : memref<512xi32, #tpu.memory_space<hbm>>) target(%arg10 : memref<512xi32, #tpu.memory_space<vmem>>) target_semaphore(%run_scoped3A : memref<!tpu.dma_semaphore, #tpu.memory_space<semaphore_mem>>)
      %dma_wait3A_64 = tpu.memref_slice %arg3[%mul3A_2] : memref<16384xi32, #tpu.memory_space<hbm>> -> memref<512xi32, #tpu.memory_space<hbm>>
      %dma_wait3A_65 = tpu.memref_slice %arg3[%mul3A_2] : memref<16384xi32, #tpu.memory_space<hbm>> -> memref<512xi32, #tpu.memory_space<hbm>>
      tpu.wait_dma2 semaphore(%run_scoped3A : memref<!tpu.dma_semaphore, #tpu.memory_space<semaphore_mem>>) src(%dma_wait3A_65 : memref<512xi32, #tpu.memory_space<hbm>>) dst(%arg10 : memref<512xi32, #tpu.memory_space<vmem>>)
      tpu.yield
    }) : () -> ()
    "tpu.region"() ({
      %run_scoped3A = tpu.sem_alloc : memref<!tpu.dma_semaphore, #tpu.memory_space<semaphore_mem>>
      %dma_start3A_62 = tpu.memref_slice %arg4[%mul3A_2] : memref<16384xf32, #tpu.memory_space<hbm>> -> memref<512xf32, #tpu.memory_space<hbm>>
      %dma_start3A_63 = tpu.memref_slice %arg4[%mul3A_2] : memref<16384xf32, #tpu.memory_space<hbm>> -> memref<512xf32, #tpu.memory_space<hbm>>
      tpu.enqueue_dma source(%dma_start3A_63 : memref<512xf32, #tpu.memory_space<hbm>>) target(%arg11 : memref<512xf32, #tpu.memory_space<vmem>>) target_semaphore(%run_scoped3A : memref<!tpu.dma_semaphore, #tpu.memory_space<semaphore_mem>>)
      %dma_wait3A_64 = tpu.memref_slice %arg4[%mul3A_2] : memref<16384xf32, #tpu.memory_space<hbm>> -> memref<512xf32, #tpu.memory_space<hbm>>
      %dma_wait3A_65 = tpu.memref_slice %arg4[%mul3A_2] : memref<16384xf32, #tpu.memory_space<hbm>> -> memref<512xf32, #tpu.memory_space<hbm>>
      tpu.wait_dma2 semaphore(%run_scoped3A : memref<!tpu.dma_semaphore, #tpu.memory_space<semaphore_mem>>) src(%dma_wait3A_65 : memref<512xf32, #tpu.memory_space<hbm>>) dst(%arg11 : memref<512xf32, #tpu.memory_space<vmem>>)
      tpu.yield
    }) : () -> ()
    "tpu.region"() ({
      %run_scoped3A = tpu.sem_alloc : memref<!tpu.dma_semaphore, #tpu.memory_space<semaphore_mem>>
      %dma_start3A_62 = tpu.memref_slice %arg5[%mul3A_2] : memref<16384xf32, #tpu.memory_space<hbm>> -> memref<512xf32, #tpu.memory_space<hbm>>
      %dma_start3A_63 = tpu.memref_slice %arg5[%mul3A_2] : memref<16384xf32, #tpu.memory_space<hbm>> -> memref<512xf32, #tpu.memory_space<hbm>>
      tpu.enqueue_dma source(%dma_start3A_63 : memref<512xf32, #tpu.memory_space<hbm>>) target(%arg12 : memref<512xf32, #tpu.memory_space<vmem>>) target_semaphore(%run_scoped3A : memref<!tpu.dma_semaphore, #tpu.memory_space<semaphore_mem>>)
      %dma_wait3A_64 = tpu.memref_slice %arg5[%mul3A_2] : memref<16384xf32, #tpu.memory_space<hbm>> -> memref<512xf32, #tpu.memory_space<hbm>>
      %dma_wait3A_65 = tpu.memref_slice %arg5[%mul3A_2] : memref<16384xf32, #tpu.memory_space<hbm>> -> memref<512xf32, #tpu.memory_space<hbm>>
      tpu.wait_dma2 semaphore(%run_scoped3A : memref<!tpu.dma_semaphore, #tpu.memory_space<semaphore_mem>>) src(%dma_wait3A_65 : memref<512xf32, #tpu.memory_space<hbm>>) dst(%arg12 : memref<512xf32, #tpu.memory_space<vmem>>)
      tpu.yield
    }) : () -> ()
    "tpu.region"() ({
      %run_scoped3A = tpu.sem_alloc : memref<!tpu.dma_semaphore, #tpu.memory_space<semaphore_mem>>
      %dma_start3A_62 = tpu.memref_slice %arg6[%mul3A_2] : memref<16384xf32, #tpu.memory_space<hbm>> -> memref<512xf32, #tpu.memory_space<hbm>>
      %dma_start3A_63 = tpu.memref_slice %arg6[%mul3A_2] : memref<16384xf32, #tpu.memory_space<hbm>> -> memref<512xf32, #tpu.memory_space<hbm>>
      tpu.enqueue_dma source(%dma_start3A_63 : memref<512xf32, #tpu.memory_space<hbm>>) target(%arg13 : memref<512xf32, #tpu.memory_space<vmem>>) target_semaphore(%run_scoped3A : memref<!tpu.dma_semaphore, #tpu.memory_space<semaphore_mem>>)
      %dma_wait3A_64 = tpu.memref_slice %arg6[%mul3A_2] : memref<16384xf32, #tpu.memory_space<hbm>> -> memref<512xf32, #tpu.memory_space<hbm>>
      %dma_wait3A_65 = tpu.memref_slice %arg6[%mul3A_2] : memref<16384xf32, #tpu.memory_space<hbm>> -> memref<512xf32, #tpu.memory_space<hbm>>
      tpu.wait_dma2 semaphore(%run_scoped3A : memref<!tpu.dma_semaphore, #tpu.memory_space<semaphore_mem>>) src(%dma_wait3A_65 : memref<512xf32, #tpu.memory_space<hbm>>) dst(%arg13 : memref<512xf32, #tpu.memory_space<vmem>>)
      tpu.yield
    }) : () -> ()
    %scan3A = arith.constant 0 : i32
    %scan3A_3 = arith.constant 0 : i32
    %scan3A_4 = arith.constant 32 : i32
    %scan3A_5 = arith.addi %scan3A_3, %scan3A_4 : i32
    %scan3A_6 = arith.constant 1 : i32
    %scan3A_7 = scf.for %scan3A_62 = %scan3A_3 to %scan3A_5 step %scan3A_6 iter_args(%scan3A_63 = %scan3A) -> (i32)  : i32 {
      %mul3A_64 = arith.constant 16 : i32
      %mul3A_65 = arith.muli %scan3A_62, %mul3A_64 : i32
      %multiple_of3A = tpu.assume_multiple %mul3A_65, 16 : i32
      %get3A = arith.index_cast %multiple_of3A : i32 to index
      %get3A_66 = tpu.vector_load %arg11[%get3A] {strides = array<i32>} : memref<512xf32, #tpu.memory_space<vmem>>, vector<16xf32>,
      %get3A_67 = vector.shape_cast %get3A_66 : vector<16xf32> to vector<16xf32>
      %get3A_68 = arith.index_cast %multiple_of3A : i32 to index
      %get3A_69 = tpu.vector_load %arg13[%get3A_68] {strides = array<i32>} : memref<512xf32, #tpu.memory_space<vmem>>, vector<16xf32>,
      %get3A_70 = vector.shape_cast %get3A_69 : vector<16xf32> to vector<16xf32>
      %get3A_71 = arith.index_cast %multiple_of3A : i32 to index
      %get3A_72 = tpu.vector_load %arg10[%get3A_71] {strides = array<i32>} : memref<512xi32, #tpu.memory_space<vmem>>, vector<16xi32>,
      %get3A_73 = vector.shape_cast %get3A_72 : vector<16xi32> to vector<16xi32>
      %eq3A = arith.constant 0.000000e+00 : f32
      %eq3A_74 = vector.broadcast %eq3A : f32 to vector<16xf32>
      %eq3A_75 = arith.cmpf oeq, %get3A_67, %eq3A_74 : vector<16xf32>
      %jit3A = arith.constant 10000000 : i32
      %jit3A_76 = arith.constant 0 : i32
      %broadcast_in_dim3A = vector.broadcast %jit3A : i32 to vector<16xi32>
      %broadcast_in_dim3A_77 = vector.broadcast %jit3A_76 : i32 to vector<16xi32>
      %select_n3A = arith.select %eq3A_75, %broadcast_in_dim3A, %broadcast_in_dim3A_77 : vector<16xi1>, vector<16xi32>
      %add3A_78 = arith.addf %get3A_67, %get3A_70 : vector<16xf32>
      %sign3A = tpu.bitcast %add3A_78 : vector<16xf32> -> vector<16xi32>
      %sign3A_79 = arith.constant -2147483648 : i32
      %sign3A_80 = vector.broadcast %sign3A_79 : i32 to vector<16xi32>
      %sign3A_81 = arith.andi %sign3A, %sign3A_80 : vector<16xi32>
      %sign3A_82 = arith.constant 1065353216 : i32
      %sign3A_83 = vector.broadcast %sign3A_82 : i32 to vector<16xi32>
      %sign3A_84 = arith.ori %sign3A_83, %sign3A_81 : vector<16xi32>
      %sign3A_85 = tpu.bitcast %sign3A_84 : vector<16xi32> -> vector<16xf32>
      %sign3A_86 = math.absf %add3A_78 : vector<16xf32>
      %sign3A_87 = arith.constant 0.000000e+00 : f32
      %sign3A_88 = vector.broadcast %sign3A_87 : f32 to vector<16xf32>
      %sign3A_89 = arith.cmpf ogt, %sign3A_86, %sign3A_88 : vector<16xf32>
      %sign3A_90 = arith.select %sign3A_89, %sign3A_85, %add3A_78 : vector<16xi1>, vector<16xf32>
      %gt3A = arith.constant 0.000000e+00 : f32
      %gt3A_91 = vector.broadcast %gt3A : f32 to vector<16xf32>
      %gt3A_92 = arith.cmpf ogt, %sign3A_90, %gt3A_91 : vector<16xf32>
      %jit3A_93 = arith.constant 5000000 : i32
      %jit3A_94 = arith.constant 0 : i32
      %broadcast_in_dim3A_95 = vector.broadcast %jit3A_93 : i32 to vector<16xi32>
      %broadcast_in_dim3A_96 = vector.broadcast %jit3A_94 : i32 to vector<16xi32>
      %select_n3A_97 = arith.select %gt3A_92, %broadcast_in_dim3A_95, %broadcast_in_dim3A_96 : vector<16xi1>, vector<16xi32>
      %get3A_98 = arith.index_cast %multiple_of3A : i32 to index
      %get3A_99 = tpu.vector_load %arg9[%get3A_98] {strides = array<i32>} : memref<512xi32, #tpu.memory_space<vmem>>, vector<16xi32>,
      %get3A_100 = vector.shape_cast %get3A_99 : vector<16xi32> to vector<16xi32>
      %mul3A_101 = arith.constant 1000 : i32
      %mul3A_102 = vector.broadcast %mul3A_101 : i32 to vector<16xi32>
      %mul3A_103 = arith.muli %get3A_100, %mul3A_102 : vector<16xi32>
      %add3A_104 = arith.addi %mul3A_103, %select_n3A : vector<16xi32>
      %add3A_105 = arith.addi %add3A_104, %select_n3A_97 : vector<16xi32>
      %add3A_106 = arith.addi %add3A_105, %get3A_73 : vector<16xi32>
      %swap3A = arith.index_cast %multiple_of3A : i32 to index
      %swap3A_107 = tpu.vector_load %arg14[%swap3A] {strides = array<i32>} : memref<512xi32, #tpu.memory_space<vmem>>, vector<16xi32>,
      %swap3A_108 = vector.shape_cast %swap3A_107 : vector<16xi32> to vector<16xi32>
      %swap3A_109 = vector.shape_cast %add3A_106 : vector<16xi32> to vector<16xi32>
      tpu.vector_store %arg14[%swap3A], %swap3A_109 {strides = array<i32>} : memref<512xi32, #tpu.memory_space<vmem>>, vector<16xi32>,
      %scan3A_110 = arith.constant 0 : i32
      scf.yield %scan3A_110 : i32
    }
    %scan3A_8 = arith.constant 32 : i32
    %dma_start3A = arith.constant 0 : i32
    %dma_start3A_9 = tpu.memref_slice %arg15[%dma_start3A] : memref<512xf32, #tpu.memory_space<vmem>> -> memref<128xf32, #tpu.memory_space<vmem>>
    %dma_start3A_10 = arith.constant 0 : i32
    %dma_start3A_11 = tpu.memref_slice %arg14[%dma_start3A_10] : memref<512xi32, #tpu.memory_space<vmem>> -> memref<128xi32, #tpu.memory_space<vmem>>
    %dma_start3A_12 = arith.constant 0 : i32
    %dma_start3A_13 = tpu.memref_slice %arg7[%dma_start3A_12] : memref<20000000xf32, #tpu.memory_space<hbm>> -> memref<20000000xf32, #tpu.memory_space<hbm>>
    tpu.enqueue_indirect_dma source(%dma_start3A_13 : memref<20000000xf32, #tpu.memory_space<hbm>>) target(%dma_start3A_9 : memref<128xf32, #tpu.memory_space<vmem>>) offsets(%dma_start3A_11 : memref<128xi32, #tpu.memory_space<vmem>>) semaphore(%arg17 : memref<!tpu.dma_semaphore, #tpu.memory_space<semaphore_mem>>)
    %dma_start3A_14 = arith.constant 128 : i32
    %dma_start3A_15 = tpu.memref_slice %arg15[%dma_start3A_14] : memref<512xf32, #tpu.memory_space<vmem>> -> memref<128xf32, #tpu.memory_space<vmem>>
    %dma_start3A_16 = arith.constant 128 : i32
    %dma_start3A_17 = tpu.memref_slice %arg14[%dma_start3A_16] : memref<512xi32, #tpu.memory_space<vmem>> -> memref<128xi32, #tpu.memory_space<vmem>>
    %dma_start3A_18 = arith.constant 0 : i32
    %dma_start3A_19 = tpu.memref_slice %arg7[%dma_start3A_18] : memref<20000000xf32, #tpu.memory_space<hbm>> -> memref<20000000xf32, #tpu.memory_space<hbm>>
    tpu.enqueue_indirect_dma source(%dma_start3A_19 : memref<20000000xf32, #tpu.memory_space<hbm>>) target(%dma_start3A_15 : memref<128xf32, #tpu.memory_space<vmem>>) offsets(%dma_start3A_17 : memref<128xi32, #tpu.memory_space<vmem>>) semaphore(%arg17 : memref<!tpu.dma_semaphore, #tpu.memory_space<semaphore_mem>>)
    %dma_start3A_20 = arith.constant 256 : i32
    %dma_start3A_21 = tpu.memref_slice %arg15[%dma_start3A_20] : memref<512xf32, #tpu.memory_space<vmem>> -> memref<128xf32, #tpu.memory_space<vmem>>
    %dma_start3A_22 = arith.constant 256 : i32
    %dma_start3A_23 = tpu.memref_slice %arg14[%dma_start3A_22] : memref<512xi32, #tpu.memory_space<vmem>> -> memref<128xi32, #tpu.memory_space<vmem>>
    %dma_start3A_24 = arith.constant 0 : i32
    %dma_start3A_25 = tpu.memref_slice %arg7[%dma_start3A_24] : memref<20000000xf32, #tpu.memory_space<hbm>> -> memref<20000000xf32, #tpu.memory_space<hbm>>
    tpu.enqueue_indirect_dma source(%dma_start3A_25 : memref<20000000xf32, #tpu.memory_space<hbm>>) target(%dma_start3A_21 : memref<128xf32, #tpu.memory_space<vmem>>) offsets(%dma_start3A_23 : memref<128xi32, #tpu.memory_space<vmem>>) semaphore(%arg17 : memref<!tpu.dma_semaphore, #tpu.memory_space<semaphore_mem>>)
    %dma_start3A_26 = arith.constant 384 : i32
    %dma_start3A_27 = tpu.memref_slice %arg15[%dma_start3A_26] : memref<512xf32, #tpu.memory_space<vmem>> -> memref<128xf32, #tpu.memory_space<vmem>>
    %dma_start3A_28 = arith.constant 384 : i32
    %dma_start3A_29 = tpu.memref_slice %arg14[%dma_start3A_28] : memref<512xi32, #tpu.memory_space<vmem>> -> memref<128xi32, #tpu.memory_space<vmem>>
    %dma_start3A_30 = arith.constant 0 : i32
    %dma_start3A_31 = tpu.memref_slice %arg7[%dma_start3A_30] : memref<20000000xf32, #tpu.memory_space<hbm>> -> memref<20000000xf32, #tpu.memory_space<hbm>>
    tpu.enqueue_indirect_dma source(%dma_start3A_31 : memref<20000000xf32, #tpu.memory_space<hbm>>) target(%dma_start3A_27 : memref<128xf32, #tpu.memory_space<vmem>>) offsets(%dma_start3A_29 : memref<128xi32, #tpu.memory_space<vmem>>) semaphore(%arg17 : memref<!tpu.dma_semaphore, #tpu.memory_space<semaphore_mem>>)
    %dma_wait3A = arith.constant 0 : i32
    %dma_wait3A_32 = tpu.memref_slice %arg15[%dma_wait3A] : memref<512xf32, #tpu.memory_space<vmem>> -> memref<128xf32, #tpu.memory_space<vmem>>
    %dma_wait3A_33 = arith.constant 0 : i32
    %dma_wait3A_34 = tpu.memref_slice %arg14[%dma_wait3A_33] : memref<512xi32, #tpu.memory_space<vmem>> -> memref<128xi32, #tpu.memory_space<vmem>>
    %dma_wait3A_35 = arith.constant 0 : i32
    %dma_wait3A_36 = tpu.memref_slice %arg7[%dma_wait3A_35] : memref<20000000xf32, #tpu.memory_space<hbm>> -> memref<20000000xf32, #tpu.memory_space<hbm>>
    tpu.wait_indirect_dma semaphore(%arg17 : memref<!tpu.dma_semaphore, #tpu.memory_space<semaphore_mem>>) src(%dma_wait3A_36 : memref<20000000xf32, #tpu.memory_space<hbm>>) dst(%dma_wait3A_32 : memref<128xf32, #tpu.memory_space<vmem>>)
    %dma_wait3A_37 = arith.constant 128 : i32
    %dma_wait3A_38 = tpu.memref_slice %arg15[%dma_wait3A_37] : memref<512xf32, #tpu.memory_space<vmem>> -> memref<128xf32, #tpu.memory_space<vmem>>
    %dma_wait3A_39 = arith.constant 128 : i32
    %dma_wait3A_40 = tpu.memref_slice %arg14[%dma_wait3A_39] : memref<512xi32, #tpu.memory_space<vmem>> -> memref<128xi32, #tpu.memory_space<vmem>>
    %dma_wait3A_41 = arith.constant 0 : i32
    %dma_wait3A_42 = tpu.memref_slice %arg7[%dma_wait3A_41] : memref<20000000xf32, #tpu.memory_space<hbm>> -> memref<20000000xf32, #tpu.memory_space<hbm>>
    tpu.wait_indirect_dma semaphore(%arg17 : memref<!tpu.dma_semaphore, #tpu.memory_space<semaphore_mem>>) src(%dma_wait3A_42 : memref<20000000xf32, #tpu.memory_space<hbm>>) dst(%dma_wait3A_38 : memref<128xf32, #tpu.memory_space<vmem>>)
    %dma_wait3A_43 = arith.constant 256 : i32
    %dma_wait3A_44 = tpu.memref_slice %arg15[%dma_wait3A_43] : memref<512xf32, #tpu.memory_space<vmem>> -> memref<128xf32, #tpu.memory_space<vmem>>
    %dma_wait3A_45 = arith.constant 256 : i32
    %dma_wait3A_46 = tpu.memref_slice %arg14[%dma_wait3A_45] : memref<512xi32, #tpu.memory_space<vmem>> -> memref<128xi32, #tpu.memory_space<vmem>>
    %dma_wait3A_47 = arith.constant 0 : i32
    %dma_wait3A_48 = tpu.memref_slice %arg7[%dma_wait3A_47] : memref<20000000xf32, #tpu.memory_space<hbm>> -> memref<20000000xf32, #tpu.memory_space<hbm>>
    tpu.wait_indirect_dma semaphore(%arg17 : memref<!tpu.dma_semaphore, #tpu.memory_space<semaphore_mem>>) src(%dma_wait3A_48 : memref<20000000xf32, #tpu.memory_space<hbm>>) dst(%dma_wait3A_44 : memref<128xf32, #tpu.memory_space<vmem>>)
    %dma_wait3A_49 = arith.constant 384 : i32
    %dma_wait3A_50 = tpu.memref_slice %arg15[%dma_wait3A_49] : memref<512xf32, #tpu.memory_space<vmem>> -> memref<128xf32, #tpu.memory_space<vmem>>
    %dma_wait3A_51 = arith.constant 384 : i32
    %dma_wait3A_52 = tpu.memref_slice %arg14[%dma_wait3A_51] : memref<512xi32, #tpu.memory_space<vmem>> -> memref<128xi32, #tpu.memory_space<vmem>>
    %dma_wait3A_53 = arith.constant 0 : i32
    %dma_wait3A_54 = tpu.memref_slice %arg7[%dma_wait3A_53] : memref<20000000xf32, #tpu.memory_space<hbm>> -> memref<20000000xf32, #tpu.memory_space<hbm>>
    tpu.wait_indirect_dma semaphore(%arg17 : memref<!tpu.dma_semaphore, #tpu.memory_space<semaphore_mem>>) src(%dma_wait3A_54 : memref<20000000xf32, #tpu.memory_space<hbm>>) dst(%dma_wait3A_50 : memref<128xf32, #tpu.memory_space<vmem>>)
    %scan3A_55 = arith.constant 0 : i32
    %scan3A_56 = arith.constant 0 : i32
    %scan3A_57 = arith.constant 32 : i32
    %scan3A_58 = arith.addi %scan3A_56, %scan3A_57 : i32
    %scan3A_59 = arith.constant 1 : i32
    %scan3A_60 = scf.for %scan3A_62 = %scan3A_56 to %scan3A_58 step %scan3A_59 iter_args(%scan3A_63 = %scan3A_55) -> (i32)  : i32 {
      %mul3A_64 = arith.constant 16 : i32
      %mul3A_65 = arith.muli %scan3A_62, %mul3A_64 : i32
      %multiple_of3A = tpu.assume_multiple %mul3A_65, 16 : i32
      %get3A = arith.index_cast %multiple_of3A : i32 to index
      %get3A_66 = tpu.vector_load %arg11[%get3A] {strides = array<i32>} : memref<512xf32, #tpu.memory_space<vmem>>, vector<16xf32>,
      %get3A_67 = vector.shape_cast %get3A_66 : vector<16xf32> to vector<16xf32>
      %get3A_68 = arith.index_cast %multiple_of3A : i32 to index
      %get3A_69 = tpu.vector_load %arg13[%get3A_68] {strides = array<i32>} : memref<512xf32, #tpu.memory_space<vmem>>, vector<16xf32>,
      %get3A_70 = vector.shape_cast %get3A_69 : vector<16xf32> to vector<16xf32>
      %get3A_71 = arith.index_cast %multiple_of3A : i32 to index
      %get3A_72 = tpu.vector_load %arg12[%get3A_71] {strides = array<i32>} : memref<512xf32, #tpu.memory_space<vmem>>, vector<16xf32>,
      %get3A_73 = vector.shape_cast %get3A_72 : vector<16xf32> to vector<16xf32>
      %get3A_74 = arith.index_cast %multiple_of3A : i32 to index
      %get3A_75 = tpu.vector_load %arg15[%get3A_74] {strides = array<i32>} : memref<512xf32, #tpu.memory_space<vmem>>, vector<16xf32>,
      %get3A_76 = vector.shape_cast %get3A_75 : vector<16xf32> to vector<16xf32>
      %add3A_77 = arith.addf %get3A_67, %get3A_70 : vector<16xf32>
      %sign3A = tpu.bitcast %add3A_77 : vector<16xf32> -> vector<16xi32>
      %sign3A_78 = arith.constant -2147483648 : i32
      %sign3A_79 = vector.broadcast %sign3A_78 : i32 to vector<16xi32>
      %sign3A_80 = arith.andi %sign3A, %sign3A_79 : vector<16xi32>
      %sign3A_81 = arith.constant 1065353216 : i32
      %sign3A_82 = vector.broadcast %sign3A_81 : i32 to vector<16xi32>
      %sign3A_83 = arith.ori %sign3A_82, %sign3A_80 : vector<16xi32>
      %sign3A_84 = tpu.bitcast %sign3A_83 : vector<16xi32> -> vector<16xf32>
      %sign3A_85 = math.absf %add3A_77 : vector<16xf32>
      %sign3A_86 = arith.constant 0.000000e+00 : f32
      %sign3A_87 = vector.broadcast %sign3A_86 : f32 to vector<16xf32>
      %sign3A_88 = arith.cmpf ogt, %sign3A_85, %sign3A_87 : vector<16xf32>
      %sign3A_89 = arith.select %sign3A_88, %sign3A_84, %add3A_77 : vector<16xi1>, vector<16xf32>
      %ne3A = arith.cmpf one, %get3A_73, %get3A_73 : vector<16xf32>
      %ne3A_90 = arith.constant 0.000000e+00 : f32
      %ne3A_91 = vector.broadcast %ne3A_90 : f32 to vector<16xf32>
      %ne3A_92 = arith.cmpf one, %sign3A_89, %ne3A_91 : vector<16xf32>
      %mul3A_93 = arith.constant 0xFF800000 : f32
      %mul3A_94 = vector.broadcast %mul3A_93 : f32 to vector<16xf32>
      %mul3A_95 = arith.mulf %mul3A_94, %sign3A_89 : vector<16xf32>
      %select_n3A = arith.select %ne3A_92, %mul3A_95, %get3A_73 : vector<16xi1>, vector<16xf32>
      %select_n3A_96 = arith.select %ne3A, %select_n3A, %get3A_73 : vector<16xi1>, vector<16xf32>
      %gt3A = arith.constant 0.000000e+00 : f32
      %gt3A_97 = vector.broadcast %gt3A : f32 to vector<16xf32>
      %gt3A_98 = arith.cmpf ogt, %sign3A_89, %gt3A_97 : vector<16xf32>
      %max3A = arith.maximumf %select_n3A_96, %get3A_76 : vector<16xf32>
      %min3A = arith.minimumf %select_n3A_96, %get3A_76 : vector<16xf32>
      %select_n3A_99 = arith.select %gt3A_98, %max3A, %min3A : vector<16xi1>, vector<16xf32>
      %ne3A_100 = arith.cmpf one, %select_n3A_99, %select_n3A_99 : vector<16xf32>
      %eq3A = arith.constant 0.000000e+00 : f32
      %eq3A_101 = vector.broadcast %eq3A : f32 to vector<16xf32>
      %eq3A_102 = arith.cmpf oeq, %sign3A_89, %eq3A_101 : vector<16xf32>
      %select_n3A_103 = arith.select %eq3A_102, %select_n3A_96, %select_n3A_99 : vector<16xi1>, vector<16xf32>
      %select_n3A_104 = arith.select %ne3A_100, %select_n3A_96, %select_n3A_103 : vector<16xi1>, vector<16xf32>
      %swap3A = arith.index_cast %multiple_of3A : i32 to index
      %swap3A_105 = tpu.vector_load %arg16[%swap3A] {strides = array<i32>} : memref<512xf32, #tpu.memory_space<vmem>>, vector<16xf32>,
      %swap3A_106 = vector.shape_cast %swap3A_105 : vector<16xf32> to vector<16xf32>
      %swap3A_107 = vector.shape_cast %select_n3A_104 : vector<16xf32> to vector<16xf32>
      tpu.vector_store %arg16[%swap3A], %swap3A_107 {strides = array<i32>} : memref<512xf32, #tpu.memory_space<vmem>>, vector<16xf32>,
      %scan3A_108 = arith.constant 0 : i32
      scf.yield %scan3A_108 : i32
    }
    %scan3A_61 = arith.constant 32 : i32
    "tpu.region"() ({
      %run_scoped3A = tpu.sem_alloc : memref<!tpu.dma_semaphore, #tpu.memory_space<semaphore_mem>>
      %dma_start3A_62 = tpu.memref_slice %arg8[%mul3A_2] : memref<16384xf32, #tpu.memory_space<hbm>> -> memref<512xf32, #tpu.memory_space<hbm>>
      %dma_start3A_63 = tpu.memref_slice %arg8[%mul3A_2] : memref<16384xf32, #tpu.memory_space<hbm>> -> memref<512xf32, #tpu.memory_space<hbm>>
      tpu.enqueue_dma source(%arg16 : memref<512xf32, #tpu.memory_space<vmem>>) target(%dma_start3A_63 : memref<512xf32, #tpu.memory_space<hbm>>) target_semaphore(%run_scoped3A : memref<!tpu.dma_semaphore, #tpu.memory_space<semaphore_mem>>)
      %dma_wait3A_64 = tpu.memref_slice %arg8[%mul3A_2] : memref<16384xf32, #tpu.memory_space<hbm>> -> memref<512xf32, #tpu.memory_space<hbm>>
      %dma_wait3A_65 = tpu.memref_slice %arg8[%mul3A_2] : memref<16384xf32, #tpu.memory_space<hbm>> -> memref<512xf32, #tpu.memory_space<hbm>>
      tpu.wait_dma2 semaphore(%run_scoped3A : memref<!tpu.dma_semaphore, #tpu.memory_space<semaphore_mem>>) src(%arg16 : memref<512xf32, #tpu.memory_space<vmem>>) dst(%dma_wait3A_65 : memref<512xf32, #tpu.memory_space<hbm>>)
      tpu.yield
    }) : () -> ()
    return
  }
}

</mosaic_0001>

<sc_bundles>
// kernel: kernel.3.cloned.1.call-start
scs
__scs_entry_jumppad:
0x0: {  	(pc) =	sbr.rel $0x88, $3  }
0x1: {  	(tag) =	ssettag $0x0;
	lr =	simm.s32 $0x1  }
0x2: {  	[smem:$0x3F9B] =	sst lr;
	_ =	strace $0xD0000000  }
0x3: {  	_ = 	snop  }
0x4: {  	_ = 	snop  }
0x5: {  	_ = 	snop  }
0x6: {  	_ = 	snop  }
0x7: {  	_ = 	snop  }
__scs_overlays_trampoline_lowered:
0x8: {  	[smem:$0x3FAA] =	sst s0  }
0x9: {  	[smem:$0x3FAB] =	sst s1  }
0xa: {  	[smem:$0x3FAC] =	sst s2  }
0xb: {  	[smem:$0x3FAD] =	sst s3  }
0xc: {  	[smem:$0x3FAE] =	sst s4  }
0xd: {  	[smem:$0x3FAF] =	sst s5  }
0xe: {  	[smem:$0x3FB0] =	sst s6  }
0xf: {  	[smem:$0x3FB1] =	sst s7  }
0x10: {  	[smem:$0x3FB2] =	sst s8  }
0x11: {  	[smem:$0x3FB3] =	sst s9;
	s0 =	simm.s32 @!p0 $0x0  }
0x12: {  	s1 =	sld [smem:$0x3F99];
	s0 =	simm.s32 @p0 $0x1  }
0x13: {  	[smem:$0x3FB4] =	sst s0;
	s0 =	simm.s32 @!p1 $0x0  }
0x14: {  	s2 =	sld [smem:$0x3F98];
	s0 =	simm.s32 @p1 $0x1  }
0x15: {  	[smem:$0x3FB5] =	sst s0;
	s0 =	simm.s32 @!p2 $0x0  }
0x16: {  	s3 =	sld [smem:$0x3FDB];
	s0 =	simm.s32 @p2 $0x1  }
0x17: {  	s4 =	simm.s32 $0x1BF5;
	[smem:$0x3FB7] =	sst s0  }
0x18: {  	s0 =	sld [smem:$0x3F9A];
	_ =	swait.ge [sflag:s4], $0x0  }
0x19: {  	s7 =	sld [smem:$0x3F9B]  }
0x1a: {  	s8 =	sadd.s32 $0xFFFFE003, lr  }
0x1b: {  	s9 =	sadd.s32 $0xFFFFFEF7, lr;
	s5 =	simm.s32 $0xFFFFFFFF;
	p2 =	slt.u32 s8, $0xFFFFF086  }
0x1c: {  	p1 =	slt.u32 s9, $0xF7A;
	s5 =	simm.s32 @!p2 $0x0  }
0x1d: {  	s5 =	simm.s32 @p1 $0x1;
	p0 =	seq.s32 s7, s2  }
0x1e: {  	s7 =	smul.u32 @!p0 $0xF7A, s2;
	p2 =	seq.s32 @!p0 s5, $0x0  }
0x1f: {  	s9 =	smul.u32 $0xF7A, s1;
	s8 =	simm.s32 @!p0 $0x1BF5;
	p2 =	por !p2, p0  }
0x20: {  	[sflag:s8] =	ssyncset.s32 @!p0 $0xFFFFF086;
	s6 =	sadd.s32 @!p0 s3, s7;
	s7 =	simm.s32 @!p0 $0x108  }
0x21: {  	s3 =	sadd.s32 s3, s9;
	s6 =	sadd.s32 @!p0 $0x88, s6;
	s7 =	simm.s32 @p2 $0x1082  }
0x22: {  	[simem:s7], [sflag:s8] =	dma.local @!p0 [hbm:s6], $0xF7A  }
0x23: {  	s9 =	sor.u32 $0xD0000000, s2;
	s6 =	simm.s32 $0x108;
	_ =	swait.ge @!p0 [sflag:s8], $0x0  }
0x24: {  	s3 =	sadd.s32 $0x88, s3;
	s6 =	simm.s32 @!p1 $0x1082;
	[sflag:s4] =	ssyncset.s32 $0xFFFFF086  }
0x25: {  	[simem:s6], [sflag:s4] =	dma.local [hbm:s3], $0xF7A  }
0x26: {  	[smem:$0x3F9B] =	sst s1;
	(tag) =	ssettag s2;
	_ =	strace s9  }
0x27: {  	s1 =	sld [smem:$0x3FAB]  }
0x28: {  	s2 =	sld [smem:$0x3FAC]  }
0x29: {  	s4 =	sld [smem:$0x3FAE]  }
0x2a: {  	p0 =	seq.s32 s5, $0x0;
	s5 =	sld [smem:$0x3FAF]  }
0x2b: {  	s6 =	sld [smem:$0x3FB0]  }
0x2c: {  	s7 =	sld [smem:$0x3FB1]  }
0x2d: {  	s3 =	simm.s32 $0x108;
	s8 =	sld [smem:$0x3FB2]  }
0x2e: {  	s3 =	simm.s32 @!p0 $0x1082;
	s9 =	sld [smem:$0x3FB3]  }
0x2f: {  	lr =	sadd.s32 s0, s3;
	s0 =	sld [smem:$0x3FAA]  }
0x30: {  	s3 =	sld [smem:$0x3FAD]  }
0x31: {  	[smem:$0x3FB6] =	sst s10  }
0x32: {  	s10 =	sld [smem:$0x3FB4];
	_ =	sdelay $0x3  }
0x33: {  	p0 =	seq.s32 s10, $0x1;
	s10 =	sld [smem:$0x3FB6];
	_ =	sdelay $0x3  }
0x34: {  	[smem:$0x3FB6] =	sst s10  }
0x35: {  	s10 =	sld [smem:$0x3FB5];
	_ =	sdelay $0x3  }
0x36: {  	p1 =	seq.s32 s10, $0x1;
	s10 =	sld [smem:$0x3FB6];
	_ =	sdelay $0x3  }
0x37: {  	[smem:$0x3FB6] =	sst s10  }
0x38: {  	s10 =	sld [smem:$0x3FB7]  }
0x39: {  	_ = 	snop;
	(pc) =	sbr.ind lr, $3  }
0x3a: {  	_ = 	snop  }
0x3b: {  	_ = 	snop  }
0x3c: {  	p2 =	seq.s32 s10, $0x1;
	s10 =	sld [smem:$0x3FB6]  }
0x3d: {  	_ =	shalt  }
0x3e: {  	_ =	shalt  }
0x3f: {  	_ =	shalt  }
0x40: {  	_ =	shalt  }
0x41: {  	_ =	shalt  }
0x42: {  	_ =	shalt  }
0x43: {  	_ =	shalt  }
0x44: {  	_ =	shalt  }
0x45: {  	_ =	shalt  }
0x46: {  	_ =	shalt  }
0x47: {  	_ =	shalt  }
0x48: {  	_ =	shalt  }
0x49: {  	_ =	shalt  }
0x4a: {  	_ =	shalt  }
0x4b: {  	_ =	shalt  }
0x4c: {  	_ =	shalt  }
0x4d: {  	_ =	shalt  }
0x4e: {  	_ =	shalt  }
0x4f: {  	_ =	shalt  }
0x50: {  	_ =	shalt  }
0x51: {  	_ =	shalt  }
0x52: {  	_ =	shalt  }
0x53: {  	_ =	shalt  }
0x54: {  	_ =	shalt  }
0x55: {  	_ =	shalt  }
0x56: {  	_ =	shalt  }
0x57: {  	_ =	shalt  }
0x58: {  	_ =	shalt  }
0x59: {  	_ =	shalt  }
0x5a: {  	_ =	shalt  }
0x5b: {  	_ =	shalt  }
0x5c: {  	_ =	shalt  }
0x5d: {  	_ =	shalt  }
0x5e: {  	_ =	shalt  }
0x5f: {  	_ =	shalt  }
0x60: {  	_ =	shalt  }
0x61: {  	_ =	shalt  }
0x62: {  	_ =	shalt  }
0x63: {  	_ =	shalt  }
0x64: {  	_ =	shalt  }
0x65: {  	_ =	shalt  }
0x66: {  	_ =	shalt  }
0x67: {  	_ =	shalt  }
0x68: {  	_ =	shalt  }
0x69: {  	_ =	shalt  }
0x6a: {  	_ =	shalt  }
0x6b: {  	_ =	shalt  }
0x6c: {  	_ =	shalt  }
0x6d: {  	_ =	shalt  }
0x6e: {  	_ =	shalt  }
0x6f: {  	_ =	shalt  }
0x70: {  	_ =	shalt  }
0x71: {  	_ =	shalt  }
0x72: {  	_ =	shalt  }
0x73: {  	_ =	shalt  }
0x74: {  	_ =	shalt  }
0x75: {  	_ =	shalt  }
0x76: {  	_ =	shalt  }
0x77: {  	_ =	shalt  }
0x78: {  	_ =	shalt  }
0x79: {  	_ =	shalt  }
0x7a: {  	_ =	shalt  }
0x7b: {  	_ =	shalt  }
0x7c: {  	_ =	shalt  }
0x7d: {  	_ =	shalt  }
0x7e: {  	_ =	shalt  }
0x7f: {  	_ =	shalt  }
0x80: {  	_ =	shalt  }
0x81: {  	_ =	shalt  }
0x82: {  	_ =	shalt  }
0x83: {  	_ =	shalt  }
0x84: {  	_ =	shalt  }
0x85: {  	_ =	shalt  }
0x86: {  	_ =	shalt  }
0x87: {  	_ =	shalt  }
.Lfunc_end0:
.L_simem_size_0:
called_computation.1_lowered:
.L_overlay_start_0:
0x88: {  	s2 =	sld [smem:$0x3FD9]  }
0x89: {  	s3 =	sld [smem:$0x3FFE];
	_ =	sdelay $0x1  }
0x8a: {  	s1 =	srdreg.scid  }
0x8b: {  	s0 =	sand.u32 $0x1, s1  }
0x8c: {  	s17 =	sshll.u32 s0, $0xA;
	s2 =	sadd.s32 s3, s2  }
0x8d: {  	s2 =	sadd.s32 s2, s17  }
0x8e: {  	[smem:$0x3FC2] =	sst s2  }
0x8f: {  	_ = 	snop  }
0x90: {  	s2 =	sld [smem:$0x3FC9]  }
0x91: {  	s18 =	sld [smem:$0x3FC8]  }
0x92: {  	s4 =	sld [smem:$0x3FC7]  }
0x93: {  	s5 =	sld [smem:$0x3FC6]  }
0x94: {  	s6 =	sld [smem:$0x3FC5]  }
0x95: {  	s7 =	sld [smem:$0x3FD0];
	(tm) =	ssettm $0x1  }
0x96: {  	s8 =	sld [smem:$0x3FFB];
	_ =	sdelay $0x3  }
0x97: {  	_ =	strace s8  }
0x98: {  	s8 =	sld [smem:$0x3FFC];
	_ =	sdelay $0x3  }
0x99: {  	_ =	strace s8  }
0x9a: {  	s8 =	sld [smem:$0x3FFD];
	_ =	sdelay $0x3  }
0x9b: {  	_ =	strace s8  }
0x9c: {  	_ =	strace $0x8FFFFFFF  }
0x9d: {  	s19 =	sld [smem:$0x3FDB];
	_ =	sdelay $0x1  }
0x9e: {  	s9 =	simm.s32 $_scs_section_size  }
0x9f: {  	s10 =	simm.s32 $_size__tile_overlayer_lowered;
	s11 =	simm.s32 $_tile_overlayer_lowered  }
0xa0: {  	s22 =	simm.s32 $0x1BFF;
	s21 =	sshll.u32 s11, $0x1;
	s8 =	sadd.s32 s9, s19  }
0xa1: {  	s12 =	simm.s32 $0x0;
	s20 =	sshll.u32 s10, $0x1;
	s10 =	sadd.s32 s21, s8  }
0xa2: {  	[timem:s12], [sflag:s22] =	dma.local [hbm:s10], s20  }
0xa3: {  	_ =	swait.ge [sflag:s22], s20  }
0xa4: {  	s9 =	ssub.s32 $0x0, s20;
	[sflag:s22] =	ssyncset.done $0x0  }
0xa5: {  	[sflag:s22] =	ssyncadd.s32 s9;
	_ =	sdelay $0x1  }
0xa6: {  	s23 =	simm.s32 $0x1B8B  }
0xa7: {  	_ =	swait.ge [sflag:s23], $0x1  }
0xa8: {  	[sflag:s23] =	ssyncset.done $0x0  }
0xa9: {  	s25 =	simm.s32 $0x1B8E;
	s24 =	sld [smem:$0x3FFE];
	[sflag:s23] =	ssyncadd.s32 $0xFFFFFFFF  }
0xaa: {  	s26 =	simm.s32 $execute0_lowered;
	[smem:$0x3FD2] =	sst s25  }
0xab: {  	s10 =	sshll.u32 s26, $0x1;
	_ =	strace $0x80000049;
	[dreg:$0x1] =	wrdreg $0xFFFFFFFF  }
0xac: {  	s28 =	simm.s32 $_size_execute0_lowered;
	s8 =	sadd.s32 s8, s10;
	[dreg:$0x0] =	wrdreg $0x0  }
0xad: {  	s10 =	sshll.u32 s28, $0x1;
	[dreg:$0x2] =	wrdreg s8  }
0xae: {  	[dreg:$0x3] =	wrdreg s10  }
0xaf: {  	[dreg:$0x4] =	wrdreg $0xC0  }
0xb0: {  	_ =	task [dreg:s12], $0x5FFFF  }
0xb1: {  	[dreg:$0x1] =	wrdreg $0xFFFFFFFF  }
0xb2: {  	[dreg:$0x0] =	wrdreg $0x60  }
0xb3: {  	[dreg:$0x2] =	wrdreg s2  }
0xb4: {  	[dreg:$0x3] =	wrdreg s18  }
0xb5: {  	[dreg:$0x4] =	wrdreg s4  }
0xb6: {  	[dreg:$0x5] =	wrdreg s5  }
0xb7: {  	[dreg:$0x6] =	wrdreg s6  }
0xb8: {  	[dreg:$0x7] =	wrdreg s24  }
0xb9: {  	[dreg:$0x8] =	wrdreg s7  }
0xba: {  	[dreg:$0x9] =	wrdreg $0x9  }
0xbb: {  	_ =	task.clear_ibuf [dreg:s12], $0xAFFFF;
	_ =	strace $0x90000049  }
0xbc: {  	s29 =	simm.s32 $0x9;
	_ =	strace $0x8000004B  }
0xbd: {  	_ =	swait.ge [sflag:s29], $0x1  }
0xbe: {  	[sflag:s29] =	ssyncadd.s32 $0xFFFFFFFF  }
0xbf: {  	_ =	strace $0x9000004B  }
0xc0: {  	_ =	sfence  }
0xc1: {  	s30 =	sld [smem:$0x0];
	_ =	sdelay $0x2  }
0xc2: {  	s31 =	sshll.u32 s1, $0xD;
	s1 =	sshrl.u32 s1, $0x2  }
0xc3: {  	s3 =	sand.u32 $0x4000, s31;
	s1 =	sadd.s32 s1, s30  }
0xc4: {  	s0 =	sor.u32 s3, s0;
	s1 =	sshll.u32 s1, $0x11  }
0xc5: {  	s0 =	sor.u32 s1, s0  }
0xc6: {  	s0 =	sadd.s32 $0x8F2B, s0  }
0xc7: {  	[sflag:s0] =	ssyncadd.remote.s32 $0x1  }
0xc8: {  	_ =	sfence.sel $0xFFFF  }
0xc9: {  	[dreg:$0x0] =	wrdreg $0xFFFFFFFF;
	(pc) =	sbr.abs _section_cstart, $3  }
0xca: {  	[dreg:$0x1] =	wrdreg $0xFFFFFFFF  }
0xcb: {  	_ =	task.clear_ibuf [dreg:s12], $0x2FFFF;
	_ =	strace $0x9FFFFFFF  }
0xcc: {  	(tm) =	ssettm $0x7FFFFFFF  }
0xcd: {  	_ =	shalt  }
tec
execute0_lowered:
.L_overlay_start_1:
0x0: {  	(tag) =	ssettag $0x1  }
0x1: {  	s4 =	rddreg [dreg:$0x0]  }
0x2: {  	s5 =	rddreg [dreg:$0x1]  }
0x3: {  	s6 =	rddreg [dreg:$0x2]  }
0x4: {  	s7 =	rddreg [dreg:$0x3]  }
0x5: {  	s8 =	rddreg [dreg:$0x4]  }
0x6: {  	s3 =	rddreg [dreg:$0x5]  }
0x7: {  	s9 =	rddreg [dreg:$0x6];
	s1 =	simm.s32 $0x0  }
0x8: {  	s2 =	srdreg.scid;
	s14 =	simm.s32 $0x600;
	s15 =	simm.s32 $0x800  }
0x9: {  	s16 =	simm.s32 $0x80;
	s17 =	simm.s32 $0xA00;
	s18 =	simm.s32 $0xC00  }
0xa: {  	s19 =	simm.s32 $0xA80;
	s20 =	simm.s32 $0xC80;
	s21 =	simm.s32 $0xB00  }
0xb: {  	s22 =	simm.s32 $0xD00;
	s23 =	simm.s32 $0xB80;
	s24 =	simm.s32 $0xD80  }
0xc: {  	s25 =	simm.s32 $0x1;
	s26 =	simm.s32 $0xE00;
	s28 =	simm.s32 $0x0  }
0xd: {  	[smem:$0x7FF] =	sst s1;
	s10 =	sand.u32 $0x1, s2;
	s2 =	stileid.u32  }
0xe: {  	s3 =	sadd.s32 $0x271800, s3;
	_ =	strace $0x8000004A;
	s11 =	ssub.s32 $0x2, s10  }
0xf: {  	s13 =	sshll.u32 s2, $0x7;
	s10 =	sshll.u32 s10, $0x6;
	s12 =	sshrl.u32 s11, $0x1  }
0x10: {  	s10 =	sor.u32 s10, s13;
	s13 =	simm.s32 $0x400;
	s11 =	ssub.s32 s11, s12  }
0x11: {  	s4 =	sadd.s32 s4, s10;
	s5 =	sadd.s32 s5, s10;
	s6 =	sadd.s32 s6, s10  }
0x12: {  	v1 =	vimm.f32 $1.000000000e+00;
	s7 =	sadd.s32 s7, s10;
	s8 =	sadd.s32 s8, s10;
	s9 =	sadd.s32 s9, s10  }
0x13: {  	v0 =	vimm.s32 $0x0;
	v1 =	vand.u32 $0x7FFFFFFF, v1;
	s12 =	simm.s32 $0x200;
	s10 =	smax.u32 s11, $0x1;
	s11 =	simm.s32 $0x2  }
.LBB2_1:
0x14: {  	[tilespmem:s1], [sflag:$0x2] =	stream.linear.gather [hbm4b:s4+s1], $0x200, $0x38;
	[tilespmem:$0x1000] =	vst v63  }
0x15: {  	_ =	swait.ge [sflag:s11], $0x200  }
0x16: {  	[sflag:s11] =	ssyncset.done $0x0  }
0x17: {  	[sflag:s11] =	ssyncadd.s32 $0xFFFFFE00  }
0x18: {  	[tilespmem:s12], [sflag:$0x2] =	stream.linear.gather [hbm4b:s5+s1], $0x200, $0x38;
	[tilespmem:$0x1000] =	vst v63  }
0x19: {  	_ =	swait.ge [sflag:s11], $0x200  }
0x1a: {  	[sflag:s11] =	ssyncset.done $0x0  }
0x1b: {  	[sflag:s11] =	ssyncadd.s32 $0xFFFFFE00  }
0x1c: {  	[tilespmem:s13], [sflag:$0x2] =	stream.linear.gather [hbm4b:s6+s1], $0x200, $0x38;
	[tilespmem:$0x1000] =	vst v63  }
0x1d: {  	_ =	swait.ge [sflag:s11], $0x200  }
0x1e: {  	[sflag:s11] =	ssyncset.done $0x0  }
0x1f: {  	[sflag:s11] =	ssyncadd.s32 $0xFFFFFE00  }
0x20: {  	[tilespmem:s14], [sflag:$0x2] =	stream.linear.gather [hbm4b:s7+s1], $0x200, $0x38;
	[tilespmem:$0x1000] =	vst v63  }
0x21: {  	_ =	swait.ge [sflag:s11], $0x200  }
0x22: {  	[sflag:s11] =	ssyncset.done $0x0  }
0x23: {  	[sflag:s11] =	ssyncadd.s32 $0xFFFFFE00  }
0x24: {  	[tilespmem:s15], [sflag:$0x2] =	stream.linear.gather [hbm4b:s8+s1], $0x200, $0x38;
	[tilespmem:$0x1000] =	vst v63  }
0x25: {  	_ =	swait.ge [sflag:s11], $0x200  }
0x26: {  	[sflag:s11] =	ssyncset.done $0x0  }
0x27: {  	s29 =	simm.s32 $0x0;
	[sflag:s11] =	ssyncadd.s32 $0xFFFFFE00  }
0x28: {  	v3 =	vld [tilespmem:s29+$0x400]  }
0x29: {  	v2 =	vld [tilespmem:s29+$0x800];
	_ =	sdelay $0x2  }
0x2a: {  	v6 =	vld [tilespmem:s29+$0x0]  }
0x2b: {  	s30 =	simm.s32 $0x10;
	v5 =	vld [tilespmem:s29+$0x200]  }
0x2c: {  	v8 =	vadd.f32 v2, v3;
	v2 =	vld [tilespmem:s30+$0x400]  }
0x2d: {  	v4 =	vld [tilespmem:s30+$0x800]  }
0x2e: {  	v7 =	vand.u32 $0x80000000, v8;
	vm0 =	vlt.f32 v8, $0.0e+00;
	vm1 =	vgt.f32 v8, $0.0e+00  }
0x2f: {  	vm2 =	veq.f32 v3, $0.0e+00;
	v9 =	vor.u32 v7, v1;
	vm0 =	vmor vm1, vm0  }
0x30: {  	s31 =	simm.s32 $0x80;
	v3 =	vld [tilespmem:s30+$0x200];
	v6 =	vmul.u32 $0x3E8, v6;
	v7 =	vsel vm2, $0x989680, v0;
	v8 =	vsel vm0, v9, v8  }
.LBB2_2:
0x31: {  	s0 =	sshra.s32 s31, $0x2;
	v9 =	vld [tilespmem:s30+$0x0];
	vm0 =	vgt.f32 v8, $0.0e+00;
	v5 =	vadd.s32 v7, v5;
	v7 =	vmov v2;
	p0 =	sne.s32 s31, $0x7C0  }
.Ltmp0:
0x32: {  	s31 =	sadd.s32 $0x40, s31;
	v2 =	vld [tilespmem:s0+$0x400];
	v8 =	vadd.f32 v4, v7;
	v10 =	vsel vm0, $0x4C4B40, v0;
	v5 =	vadd.s32 v6, v5;
	(pc) =	sbr.rel @p0 .LBB2_2-.Ltmp0, $4  }
0x33: {  	v4 =	vld [tilespmem:s0+$0x800];
	v10 =	vadd.s32 v10, v5  }
0x34: {  	v6 =	vand.u32 $0x80000000, v8;
	vm0 =	vlt.f32 v8, $0.0e+00;
	vm1 =	vgt.f32 v8, $0.0e+00;
	[tilespmem:s29+$0xA00] =	vst v10;
	s29 =	smov.u32 s30;
	s30 =	smov.u32 s0  }
0x35: {  	vm2 =	veq.f32 v7, $0.0e+00;
	v6 =	vor.u32 v6, v1;
	vm0 =	vmor vm1, vm0;
	v5 =	vmovc v3  }
0x36: {  	v7 =	vsel vm2, $0x989680, v0;
	v3 =	vld [tilespmem:s30+$0x200];
	v8 =	vsel vm0, v6, v8;
	v6 =	vmul.u32 $0x3E8, v9  }
0x37: {  	v9 =	vld [tilespmem:s30+$0x0]  }
0x38: {  	v4 =	vadd.f32 v4, v2  }
0x39: {  	vm11 =	vgt.f32 v8, $0.0e+00;
	v5 =	vadd.s32 v7, v5;
	vm12 =	veq.f32 v2, $0.0e+00  }
0x3a: {  	v10 =	vand.u32 $0x80000000, v4;
	vm0 =	vlt.f32 v4, $0.0e+00;
	vm1 =	vgt.f32 v4, $0.0e+00  }
0x3b: {  	v2 =	vsel vm11, $0x4C4B40, v0;
	vm0 =	vmor vm1, vm0;
	v10 =	vor.u32 v10, v1  }
0x3c: {  	v7 =	vsel vm12, $0x989680, v0;
	v4 =	vsel vm0, v10, v4;
	v8 =	vmul.u32 $0x3E8, v9  }
0x3d: {  	v5 =	vadd.s32 v6, v5;
	v3 =	vadd.s32 v7, v3;
	vm13 =	vgt.f32 v4, $0.0e+00  }
0x3e: {  	v2 =	vadd.s32 v2, v5;
	v4 =	vsel vm13, $0x4C4B40, v0;
	v3 =	vadd.s32 v8, v3  }
0x3f: {  	[tilespmem:s29+$0xA00] =	vst v2;
	v2 =	vadd.s32 v4, v3  }
0x40: {  	[tilespmem:s30+$0xA00] =	vst v2  }
0x41: {  	[tilespmem:s18], [sflag:$0x1] =	stream.indirect.gather [hbm4b:s3+s16], $0x1, s17, s16, $0xb8;
	[tilespmem:$0x1000] =	vst v63  }
0x42: {  	_ = 	snop  }
0x43: {  	[tilespmem:s20], [sflag:$0x1] =	stream.indirect.gather [hbm4b:s3+s16], $0x1, s19, s16, $0xb8;
	[tilespmem:$0x1000] =	vst v63  }
0x44: {  	_ = 	snop  }
0x45: {  	[tilespmem:s22], [sflag:$0x1] =	stream.indirect.gather [hbm4b:s3+s16], $0x1, s21, s16, $0xb8;
	[tilespmem:$0x1000] =	vst v63  }
0x46: {  	_ = 	snop  }
0x47: {  	[tilespmem:s24], [sflag:$0x1] =	stream.indirect.gather [hbm4b:s3+s16], $0x1, s23, s16, $0xb8;
	[tilespmem:$0x1000] =	vst v63  }
0x48: {  	_ =	swait.ge [sflag:s25], $0x80  }
0x49: {  	[sflag:s25] =	ssyncset.done $0x0  }
0x4a: {  	[sflag:s25] =	ssyncadd.s32 $0xFFFFFF80  }
0x4b: {  	_ =	swait.ge [sflag:s25], $0x80  }
0x4c: {  	[sflag:s25] =	ssyncset.done $0x0  }
0x4d: {  	[sflag:s25] =	ssyncadd.s32 $0xFFFFFF80  }
0x4e: {  	_ =	swait.ge [sflag:s25], $0x80  }
0x4f: {  	[sflag:s25] =	ssyncset.done $0x0  }
0x50: {  	[sflag:s25] =	ssyncadd.s32 $0xFFFFFF80  }
0x51: {  	_ =	swait.ge [sflag:s25], $0x80  }
0x52: {  	[sflag:s25] =	ssyncset.done $0x0  }
0x53: {  	s29 =	simm.s32 $0x0;
	[sflag:s25] =	ssyncadd.s32 $0xFFFFFF80  }
0x54: {  	v2 =	vld [tilespmem:s29+$0x400]  }
0x55: {  	v4 =	vld [tilespmem:s29+$0x800];
	_ =	sdelay $0x2  }
0x56: {  	s30 =	simm.s32 $0x10;
	v3 =	vld [tilespmem:s29+$0x600]  }
0x57: {  	v5 =	vld [tilespmem:s30+$0x400]  }
0x58: {  	v7 =	vadd.f32 v4, v2;
	v4 =	vld [tilespmem:s29+$0xC00]  }
0x59: {  	v6 =	vld [tilespmem:s30+$0x800]  }
0x5a: {  	v2 =	vand.u32 $0x80000000, v7;
	vm14 =	vlt.f32 v7, $0.0e+00;
	vm15 =	vgt.f32 v7, $0.0e+00  }
0x5b: {  	v8 =	vor.u32 v2, v1;
	vm0 =	vmor vm15, vm14  }
0x5c: {  	s31 =	simm.s32 $0x80;
	v2 =	vld [tilespmem:s30+$0x600];
	v7 =	vsel vm0, v8, v7  }
.LBB2_4:
0x5d: {  	s0 =	sshra.s32 s31, $0x2;
	vm0 =	vgt.f32 v7, $0.0e+00;
	v8 =	vmax.f32 v3, v4;
	v9 =	vmin.f32 v3, v4;
	v4 =	vld [tilespmem:s30+$0xC00];
	p0 =	sne.s32 s31, $0x7C0  }
.Ltmp1:
0x5e: {  	s31 =	sadd.s32 $0x40, s31;
	v10 =	vadd.f32 v6, v5;
	v5 =	vld [tilespmem:s0+$0x400];
	v8 =	vsel vm0, v8, v9;
	vm0 =	veq.f32 v7, $0.0e+00;
	(pc) =	sbr.rel @p0 .LBB2_4-.Ltmp1, $4  }
0x5f: {  	v6 =	vld [tilespmem:s0+$0x800];
	v8 =	vsel vm0, v3, v8  }
0x60: {  	v7 =	vand.u32 $0x80000000, v10;
	vm0 =	vlt.f32 v10, $0.0e+00;
	vm1 =	vgt.f32 v10, $0.0e+00;
	[tilespmem:s29+$0xE00] =	vst v8;
	s29 =	smov.u32 s30;
	s30 =	smov.u32 s0  }
0x61: {  	v7 =	vor.u32 v7, v1;
	vm0 =	vmor vm1, vm0;
	v3 =	vmov v2  }
0x62: {  	v2 =	vld [tilespmem:s30+$0x600];
	v7 =	vsel vm0, v7, v10  }
0x63: {  	_ = 	snop  }
0x64: {  	v60 =	vld [tilespmem:s30+$0xC00];
	v5 =	vadd.f32 v6, v5  }
0x65: {  	vm13 =	vgt.f32 v7, $0.0e+00;
	v9 =	vmax.f32 v3, v4  }
0x66: {  	vm0 =	vlt.f32 v5, $0.0e+00;
	vm1 =	vgt.f32 v5, $0.0e+00;
	v8 =	vand.u32 $0x80000000, v5  }
0x67: {  	v61 =	vmin.f32 v3, v4;
	vm0 =	vmor vm1, vm0;
	v8 =	vor.u32 v8, v1  }
0x68: {  	vm14 =	veq.f32 v7, $0.0e+00;
	v4 =	vsel vm13, v9, v61;
	v5 =	vsel vm0, v8, v5  }
0x69: {  	v62 =	vmax.f32 v2, v60;
	v6 =	vmin.f32 v2, v60;
	vm0 =	vgt.f32 v5, $0.0e+00  }
0x6a: {  	s28 =	sadd.s32 $0x1, s28;
	v3 =	vsel vm14, v3, v4;
	vm15 =	veq.f32 v5, $0.0e+00;
	v63 =	vsel vm0, v62, v6  }
0x6b: {  	p0 =	sne.s32 s28, s10;
	[tilespmem:s29+$0xE00] =	vst v3;
	v2 =	vsel vm15, v2, v63  }
.Ltmp2:
0x6c: {  	[tilespmem:s30+$0xE00] =	vst v2;
	(pc) =	sbr.rel @p0 .LBB2_1-.Ltmp2, $4  }
0x6d: {  	[hbm4b:s9+s1] =	stream.linear.scatter [tilespmem:s26], [sflag:$0x2], $0x200, $0x38;
	[tilespmem:$0x1000] =	vst v63  }
0x6e: {  	_ =	swait.ge [sflag:s11], $0x200  }
0x6f: {  	[sflag:s11] =	ssyncset.done $0x0  }
0x70: {  	[sflag:s11] =	ssyncadd.s32 $0xFFFFFE00  }
0x71: {  	_ =	sfence.sel $0x180000  }
0x72: {  	[bflag:$0x0] =	sbarrier.arrive $0xFFFF  }
0x73: {  	_ =	strace $0x9000004A  }
0x74: {  	[bflag:$0x2] =	sbarrier.arrive $0xFFFF  }
0x75: {  	p0 =	sne.s32 s2, $0x0;
	s0 =	rddreg [dreg:$0x7]  }
0x76: {  	s0 =	sadd.s32 @!p0 $0x100000, s0  }
0x77: {  	[sflag:s0] =	ssyncadd.tile.s32 @!p0 $0x1;
	_ =	shalt  }
.Lfunc_end2:
_tile_overlayer_lowered:
.L_overlay_start_2:
0x78: {  	(tag) =	ssettag $0x2  }
0x79: {  	s0 =	rddreg [dreg:$0x0];
	s2 =	stileid.u32  }
0x7a: {  	s1 =	rddreg [dreg:$0x1];
	p0 =	sne.s32 s2, $0x0  }
0x7b: {  	s3 =	rddreg [dreg:$0x2];
	[bflag:$0x3] =	sbarrier.arrive $0xFFFF;
	s2 =	simm.s32 @!p0 $0x1C02  }
0x7c: {  	[timem:s3], [sflag:s2] =	dma.local @!p0 [hbm:s0], s1  }
0x7d: {  	s0 =	simm.s32 @!p0 $0x2  }
0x7e: {  	_ =	swait.ge @!p0 [sflag:s0], s1  }
0x7f: {  	s1 =	ssub.s32 @!p0 $0x0, s1;
	[sflag:s0] =	ssyncset.done @!p0 $0x0  }
0x80: {  	[sflag:s0] =	ssyncadd.s32 @!p0 s1  }
0x81: {  	[bflag:$0x3] =	sbarrier.arrive $0xFFFF  }
0x82: {  	_ =	shalt  }

// kernel: sparse-core-data-format-call.cloned.1.call-start
scs
called_computation_lowered:
.L_overlay_start_0:
0x0: {  	s2 =	sld [smem:$0x3FD9]  }
0x1: {  	s3 =	sld [smem:$0x3FFE];
	_ =	sdelay $0x1  }
0x2: {  	s1 =	srdreg.scid  }
0x3: {  	s0 =	sand.u32 $0x1, s1  }
0x4: {  	s18 =	sshll.u32 s0, $0xA;
	s2 =	sadd.s32 s3, s2  }
0x5: {  	s2 =	sadd.s32 s2, s18  }
0x6: {  	[smem:$0x3FC2] =	sst s2  }
0x7: {  	_ = 	snop  }
0x8: {  	s2 =	sld [smem:$0x3FC4];
	(tm) =	ssettm $0x1  }
0x9: {  	s19 =	sld [smem:$0x3FFB];
	_ =	sdelay $0x3  }
0xa: {  	_ =	strace s19  }
0xb: {  	s3 =	sld [smem:$0x3FFC];
	_ =	sdelay $0x3  }
0xc: {  	_ =	strace s3  }
0xd: {  	s3 =	sld [smem:$0x3FFD];
	_ =	sdelay $0x3  }
0xe: {  	_ =	strace s3  }
0xf: {  	_ =	strace $0x8FFFFFFF  }
0x10: {  	s20 =	sld [smem:$0x3FDB];
	_ =	sdelay $0x1  }
0x11: {  	s4 =	simm.s32 $_scs_section_size  }
0x12: {  	s5 =	simm.s32 $_size__tile_overlayer_lowered;
	s6 =	simm.s32 $_tile_overlayer_lowered  }
0x13: {  	s23 =	simm.s32 $0x1BFF;
	s22 =	sshll.u32 s6, $0x1;
	s3 =	sadd.s32 s4, s20  }
0x14: {  	s7 =	simm.s32 $0x0;
	s21 =	sshll.u32 s5, $0x1;
	s5 =	sadd.s32 s22, s3  }
0x15: {  	[timem:s7], [sflag:s23] =	dma.local [hbm:s5], s21  }
0x16: {  	_ =	swait.ge [sflag:s23], s21  }
0x17: {  	s4 =	ssub.s32 $0x0, s21;
	[sflag:s23] =	ssyncset.done $0x0  }
0x18: {  	[sflag:s23] =	ssyncadd.s32 s4;
	_ =	sdelay $0x1  }
0x19: {  	s24 =	simm.s32 $0x1B8B  }
0x1a: {  	_ =	swait.ge [sflag:s24], $0x1  }
0x1b: {  	[sflag:s24] =	ssyncset.done $0x0  }
0x1c: {  	s26 =	simm.s32 $0x1B8E;
	s25 =	sld [smem:$0x3FFE];
	[sflag:s24] =	ssyncadd.s32 $0xFFFFFFFF  }
0x1d: {  	s27 =	simm.s32 $execute0_lowered;
	[smem:$0x3FD2] =	sst s26  }
0x1e: {  	s5 =	sshll.u32 s27, $0x1;
	_ =	strace $0x80000046;
	[dreg:$0x1] =	wrdreg $0xFFFFFFFF  }
0x1f: {  	s28 =	simm.s32 $_size_execute0_lowered;
	s3 =	sadd.s32 s3, s5;
	[dreg:$0x0] =	wrdreg $0x0  }
0x20: {  	s5 =	sshll.u32 s28, $0x1;
	[dreg:$0x2] =	wrdreg s3  }
0x21: {  	[dreg:$0x3] =	wrdreg s5  }
0x22: {  	[dreg:$0x4] =	wrdreg $0xC0  }
0x23: {  	_ =	task [dreg:s7], $0x5FFFF  }
0x24: {  	[dreg:$0x1] =	wrdreg $0xFFFFFFFF  }
0x25: {  	[dreg:$0x0] =	wrdreg $0x60  }
0x26: {  	[dreg:$0x2] =	wrdreg s2  }
0x27: {  	[dreg:$0x3] =	wrdreg s25  }
0x28: {  	[dreg:$0x4] =	wrdreg $0x9  }
0x29: {  	_ =	task.clear_ibuf [dreg:s7], $0x5FFFF;
	_ =	strace $0x90000046  }
0x2a: {  	s29 =	simm.s32 $0x9;
	_ =	strace $0x80000048  }
0x2b: {  	_ =	swait.ge [sflag:s29], $0x1  }
0x2c: {  	[sflag:s29] =	ssyncadd.s32 $0xFFFFFFFF  }
0x2d: {  	_ =	strace $0x90000048  }
0x2e: {  	_ =	sfence  }
0x2f: {  	s30 =	sld [smem:$0x0];
	_ =	sdelay $0x2  }
0x30: {  	s31 =	sshll.u32 s1, $0xD;
	s1 =	sshrl.u32 s1, $0x2  }
0x31: {  	s3 =	sand.u32 $0x4000, s31;
	s1 =	sadd.s32 s1, s30  }
0x32: {  	s0 =	sor.u32 s3, s0;
	s1 =	sshll.u32 s1, $0x11  }
0x33: {  	s0 =	sor.u32 s1, s0  }
0x34: {  	s0 =	sadd.s32 $0x8F2B, s0  }
0x35: {  	[sflag:s0] =	ssyncadd.remote.s32 $0x1  }
0x36: {  	_ =	sfence.sel $0xFFFF  }
0x37: {  	[dreg:$0x0] =	wrdreg $0xFFFFFFFF;
	(pc) =	sbr.abs _section_cstart, $3  }
0x38: {  	[dreg:$0x1] =	wrdreg $0xFFFFFFFF  }
0x39: {  	_ =	task.clear_ibuf [dreg:s7], $0x2FFFF;
	_ =	strace $0x9FFFFFFF  }
0x3a: {  	(tm) =	ssettm $0x7FFFFFFF  }
0x3b: {  	_ =	shalt  }
tec
execute0_lowered:
.L_overlay_start_1:
0x0: {  	(tag) =	ssettag $0x1  }
0x1: {  	s7 =	rddreg [dreg:$0x0]  }
0x2: {  	s6 =	rddreg [dreg:$0x1]  }
0x3: {  	s1 =	stileid.u32;
	s0 =	rddreg [dreg:$0x2]  }
0x4: {  	_ =	strace $0x80000047;
	s3 =	srdreg.scid;
	s4 =	simm.s32 $0x1  }
0x5: {  	s30 =	simm.s32 $0x2;
	s13 =	simm.s32 $0x0;
	s2 =	sshll.u32 s1, $0x3  }
0x6: {  	s14 =	simm.s32 $0x0;
	s3 =	sand.u32 $0x1, s3;
	s5 =	ssub.s32 $0x1388, s2  }
0x7: {  	s12 =	simm.s32 $0x0;
	s9 =	ssub.s32 $0x2, s3;
	s8 =	sand.u32 $0x78, s5  }
0x8: {  	s5 =	sshrl.u32 s5, $0x7;
	p0 =	sne.s32 s8, $0x0;
	s8 =	simm.s32 $0x1  }
.Ltmp0:
0x9: {  	s10 =	sshrl.u32 s9, $0x1;
	s8 =	simm.s32 @!p0 $0x0;
	(pc) =	sbr.rel .LBB1_1-.Ltmp0, $4  }
0xa: {  	[sflag:s4] =	ssyncpa.u1 $0x0;
	s29 =	ssub.s32 s9, s10;
	s5 =	sadd.s32 s8, s5  }
0xb: {  	s6 =	sadd.s32 $0x800, s6;
	s31 =	sshll.u32 s3, $0x8;
	s5 =	smul.u32 s29, s5  }
0xc: {  	[sflag:s30] =	ssyncpa.u1 $0x0;
	s11 =	smov.u32 s2;
	s7 =	sadd.s32 s7, s31  }
0xd: {  	s9 =	simm.s32 $0x2000;
	s10 =	simm.s32 $0x4E2000;
	s8 =	sadd.s32 $0x1, s5  }
.LBB1_9:
0xe: {  	s15 =	sadd.s32 $0x80, s11  }
0xf: {  	p1 =	sgt.s32 s15, $0x1387  }
0x10: {  	s15 =	smov.u32 @p1 s2;
	p1 =	sne.s32 s12, s8  }
.Ltmp1:
0x11: {  	p0 =	slt.u32 s12, $0x2;
	(pc) =	sbr.rel @!p1 .LBB1_10-.Ltmp1, $4  }
0x12: {  	s13 =	simm.s32 @!p0 $0x2  }
0x13: {  	s16 =	sadd.s32 $0x1, s12;
	_ =	swait.ge @!p0 [sflag:s13], $0x4000  }
0x14: {  	s14 =	smov.u32 s11;
	s12 =	smov.u32 s16;
	[sflag:s13] =	ssyncset.done @!p0 $0x0  }
0x15: {  	s11 =	smov.u32 s15;
	[sflag:s13] =	ssyncadd.s32 @!p0 $0xFFFFC000;
	s13 =	smov.u32 s3  }
.LBB1_1:
0x16: {  	p0 =	sge.u32 s12, s5  }
0x17: {  	s31 =	sadd.s32 $0xFFFFFFFF, s12;
	s15 =	sxor.u32 @!p0 $0xFFFFFFFF, s12  }
0x18: {  	s16 =	sshll.u32 @!p0 s11, $0x9;
	s17 =	simm.s32 @!p0 $0x800;
	s15 =	sshll.u32 @!p0 s15, $0xE  }
0x19: {  	s18 =	simm.s32 @!p0 $0x1000;
	s16 =	sadd.s32 @!p0 s16, s7;
	s15 =	sand.u32 @!p0 $0x4000, s15  }
0x1a: {  	[tilespmem:s15], [sflag:$0x1] =	stream.strided.gather @!p0 [hbm4b:s16+s17], $0x4000, s18, s17, $0x38;
	[tilespmem:$0x10000] =	vst v63  }
0x1b: {  	p0 =	sge.u32 s31, s5  }
.Ltmp2:
0x1c: {  	_ = 	snop;
	(pc) =	sbr.rel @p0 .LBB1_9-.Ltmp2, $1  }
0x1d: {  	_ =	sdelay $0x3  }
0x1e: {  	_ =	swait.ge [sflag:s4], $0x4000;
	s15 =	sshll.u32 s12, $0xE  }
0x1f: {  	[sflag:s4] =	ssyncset.done $0x0;
	s16 =	sand.u32 $0x4000, s15  }
0x20: {  	s17 =	simm.s32 $0x0;
	[sflag:s4] =	ssyncadd.s32 $0xFFFFC000;
	s15 =	sor.u32 $0x8000, s16  }
.LBB1_3:
0x21: {  	s20 =	sshll.u32 s17, $0xB  }
0x22: {  	s21 =	sshll.u32 s17, $0x7;
	p1 =	por $0x1, $0x1;
	v1 =	vmov s20  }
0x23: {  	s18 =	sadd.s32 s20, s16;
	s19 =	sadd.s32 s21, s15;
	v0 =	vmov s21;
	s20 =	simm.s32 $0x0  }
.LBB1_4:
0x24: {  	s21 =	sshll.u32 s20, $0x7  }
0x25: {  	s24 =	sadd.s32 s21, s18  }
0x26: {  	v2 =	vmov s24  }
0x27: {  	s23 =	sshll.u32 s20, $0xD;
	p0 =	por p1, p1;
	s22 =	simm.s32 $0x0  }
0x28: {  	p1 =	por $0x1, $0x1;
	s20 =	sadd.s32 s23, s15;
	s21 =	sadd.s32 s21, s16;
	v3 =	vmov s23  }
.LBB1_5:
0x29: {  	s22 =	sshll.u32 s22, $0x3  }
0x2a: {  	s23 =	sshra.s32 s22, $0x2  }
0x2b: {  	v4 =	vld.idx.msk [tilespmem:v2+s23+$0x0 ss:$0x1], $0xffff;
	s23 =	sadd.s32 s23, s21  }
0x2c: {  	v5 =	vld.idx.msk [tilespmem:v1+s23+$0x10 ss:$0x1], $0xffff  }
0x2d: {  	v6 =	vld.idx.msk [tilespmem:v1+s23+$0x20 ss:$0x1], $0xffff  }
0x2e: {  	s22 =	sand.u32 $0x3FFFFFF8, s22;
	v7 =	vld.idx.msk [tilespmem:v1+s23+$0x30 ss:$0x1], $0xffff  }
0x2f: {  	s24 =	sadd.s32 s22, s20;
	v8 =	vld.idx.msk [tilespmem:v1+s23+$0x40 ss:$0x1], $0xffff  }
0x30: {  	s22 =	sadd.s32 s22, s19;
	[tilespmem:v0+s24+$0x0 ss:$0x1] =	vst.idx.msk $0xffff, v4;
	v4 =	vld.idx.msk [tilespmem:v1+s23+$0x50 ss:$0x1], $0xffff  }
0x31: {  	[tilespmem:v3+s22+$0x10 ss:$0x1] =	vst.idx.msk $0xffff, v5;
	v5 =	vld.idx.msk [tilespmem:v1+s23+$0x60 ss:$0x1], $0xffff  }
0x32: {  	v49 =	vld.idx.msk [tilespmem:v1+s23+$0x70 ss:$0x1], $0xffff;
	[tilespmem:v3+s22+$0x20 ss:$0x1] =	vst.idx.msk $0xffff, v6  }
0x33: {  	v50 =	vld.idx.msk [tilespmem:v1+s23+$0x100 ss:$0x1], $0xffff;
	[tilespmem:v3+s22+$0x30 ss:$0x1] =	vst.idx.msk $0xffff, v7  }
0x34: {  	v51 =	vld.idx.msk [tilespmem:v1+s23+$0x110 ss:$0x1], $0xffff;
	[tilespmem:v3+s22+$0x40 ss:$0x1] =	vst.idx.msk $0xffff, v8  }
0x35: {  	[tilespmem:v3+s22+$0x50 ss:$0x1] =	vst.idx.msk $0xffff, v4;
	v4 =	vld.idx.msk [tilespmem:v1+s23+$0x120 ss:$0x1], $0xffff  }
0x36: {  	[tilespmem:v3+s22+$0x60 ss:$0x1] =	vst.idx.msk $0xffff, v5;
	v5 =	vld.idx.msk [tilespmem:v1+s23+$0x130 ss:$0x1], $0xffff  }
0x37: {  	v52 =	vld.idx.msk [tilespmem:v1+s23+$0x140 ss:$0x1], $0xffff;
	[tilespmem:v3+s22+$0x70 ss:$0x1] =	vst.idx.msk $0xffff, v49  }
0x38: {  	v53 =	vld.idx.msk [tilespmem:v1+s23+$0x150 ss:$0x1], $0xffff;
	[tilespmem:v0+s24+$0x400 ss:$0x1] =	vst.idx.msk $0xffff, v50  }
0x39: {  	v54 =	vld.idx.msk [tilespmem:v1+s23+$0x160 ss:$0x1], $0xffff;
	[tilespmem:v3+s22+$0x410 ss:$0x1] =	vst.idx.msk $0xffff, v51  }
0x3a: {  	[tilespmem:v3+s22+$0x420 ss:$0x1] =	vst.idx.msk $0xffff, v4;
	v4 =	vld.idx.msk [tilespmem:v1+s23+$0x170 ss:$0x1], $0xffff  }
0x3b: {  	[tilespmem:v3+s22+$0x430 ss:$0x1] =	vst.idx.msk $0xffff, v5;
	v5 =	vld.idx.msk [tilespmem:v1+s23+$0x200 ss:$0x1], $0xffff  }
0x3c: {  	v55 =	vld.idx.msk [tilespmem:v1+s23+$0x210 ss:$0x1], $0xffff;
	[tilespmem:v3+s22+$0x440 ss:$0x1] =	vst.idx.msk $0xffff, v52  }
0x3d: {  	v56 =	vld.idx.msk [tilespmem:v1+s23+$0x220 ss:$0x1], $0xffff;
	[tilespmem:v3+s22+$0x450 ss:$0x1] =	vst.idx.msk $0xffff, v53  }
0x3e: {  	v57 =	vld.idx.msk [tilespmem:v1+s23+$0x230 ss:$0x1], $0xffff;
	[tilespmem:v3+s22+$0x460 ss:$0x1] =	vst.idx.msk $0xffff, v54  }
0x3f: {  	[tilespmem:v3+s22+$0x470 ss:$0x1] =	vst.idx.msk $0xffff, v4;
	v4 =	vld.idx.msk [tilespmem:v1+s23+$0x240 ss:$0x1], $0xffff  }
0x40: {  	[tilespmem:v0+s24+$0x800 ss:$0x1] =	vst.idx.msk $0xffff, v5;
	v5 =	vld.idx.msk [tilespmem:v1+s23+$0x250 ss:$0x1], $0xffff  }
0x41: {  	v58 =	vld.idx.msk [tilespmem:v1+s23+$0x260 ss:$0x1], $0xffff;
	[tilespmem:v3+s22+$0x810 ss:$0x1] =	vst.idx.msk $0xffff, v55  }
0x42: {  	v59 =	vld.idx.msk [tilespmem:v1+s23+$0x270 ss:$0x1], $0xffff;
	[tilespmem:v3+s22+$0x820 ss:$0x1] =	vst.idx.msk $0xffff, v56  }
0x43: {  	v60 =	vld.idx.msk [tilespmem:v1+s23+$0x300 ss:$0x1], $0xffff;
	[tilespmem:v3+s22+$0x830 ss:$0x1] =	vst.idx.msk $0xffff, v57  }
0x44: {  	[tilespmem:v3+s22+$0x840 ss:$0x1] =	vst.idx.msk $0xffff, v4;
	v4 =	vld.idx.msk [tilespmem:v1+s23+$0x310 ss:$0x1], $0xffff  }
0x45: {  	[tilespmem:v3+s22+$0x850 ss:$0x1] =	vst.idx.msk $0xffff, v5;
	v5 =	vld.idx.msk [tilespmem:v1+s23+$0x320 ss:$0x1], $0xffff  }
0x46: {  	v61 =	vld.idx.msk [tilespmem:v1+s23+$0x330 ss:$0x1], $0xffff;
	[tilespmem:v3+s22+$0x860 ss:$0x1] =	vst.idx.msk $0xffff, v58  }
0x47: {  	v62 =	vld.idx.msk [tilespmem:v1+s23+$0x340 ss:$0x1], $0xffff;
	[tilespmem:v3+s22+$0x870 ss:$0x1] =	vst.idx.msk $0xffff, v59  }
0x48: {  	v63 =	vld.idx.msk [tilespmem:v1+s23+$0x350 ss:$0x1], $0xffff;
	[tilespmem:v0+s24+$0xC00 ss:$0x1] =	vst.idx.msk $0xffff, v60  }
0x49: {  	[tilespmem:v3+s22+$0xC10 ss:$0x1] =	vst.idx.msk $0xffff, v4;
	v4 =	vld.idx.msk [tilespmem:v1+s23+$0x360 ss:$0x1], $0xffff  }
0x4a: {  	p2 =	por p1, p1;
	[tilespmem:v3+s22+$0xC20 ss:$0x1] =	vst.idx.msk $0xffff, v5;
	v5 =	vld.idx.msk [tilespmem:v1+s23+$0x370 ss:$0x1], $0xffff  }
.Ltmp3:
0x4b: {  	[tilespmem:v3+s22+$0xC30 ss:$0x1] =	vst.idx.msk $0xffff, v61;
	(pc) =	sbr.rel @p2 .LBB1_5-.Ltmp3, $4  }
0x4c: {  	[tilespmem:v3+s22+$0xC40 ss:$0x1] =	vst.idx.msk $0xffff, v62  }
0x4d: {  	[tilespmem:v3+s22+$0xC50 ss:$0x1] =	vst.idx.msk $0xffff, v63  }
0x4e: {  	[tilespmem:v3+s22+$0xC60 ss:$0x1] =	vst.idx.msk $0xffff, v4  }
0x4f: {  	p1 =	por $0x0, $0x0;
	[tilespmem:v3+s22+$0xC70 ss:$0x1] =	vst.idx.msk $0xffff, v5;
	s22 =	simm.s32 $0x200  }
.Ltmp4:
0x50: {  	(pc) =	sbr.rel @p0 .LBB1_4-.Ltmp4, $2  }
0x51: {  	_ =	sdelay $0x2  }
0x52: {  	s20 =	simm.s32 $0x1;
	p1 =	por $0x0, $0x0  }
0x53: {  	s17 =	sadd.s32 $0x1, s17  }
0x54: {  	p0 =	sne.s32 s17, $0x8  }
.Ltmp5:
0x55: {  	_ = 	snop;
	(pc) =	sbr.rel @p0 .LBB1_3-.Ltmp5, $1  }
0x56: {  	_ =	sdelay $0x3  }
0x57: {  	s16 =	sand.u32 $0x3FFFF8, s14  }
0x58: {  	s17 =	smulhi.u32 $0x1A36E3, s16;
	_ =	sdelay $0x1  }
0x59: {  	s13 =	smul.u32 $0x138800, s13;
	s17 =	sshrl.u32 s17, $0x1  }
0x5a: {  	s17 =	smul.u32 $0x1388, s17  }
.Ltmp6:
0x5b: {  	s31 =	sshll.u32 s14, $0x4;
	(pc) =	sbr.rel .LBB1_9-.Ltmp6, $4  }
0x5c: {  	s14 =	sand.u32 $0x70, s31;
	s13 =	sadd.s32 s6, s13;
	s16 =	ssub.s32 s16, s17  }
0x5d: {  	s13 =	sadd.s32 s14, s13;
	s16 =	sshll.u32 s16, $0x7  }
0x5e: {  	s13 =	sadd.s32 s16, s13  }
0x5f: {  	[hbm4b:s13+s9] =	stream.strided.scatter [tilespmem:s15], [sflag:$0x2], $0x4000, s10, s9, $0x38;
	[tilespmem:$0x10000] =	vst v63  }
.LBB1_10:
0x60: {  	_ =	sfence.sel $0x180000  }
0x61: {  	s2 =	simm.s32 $0x1;
	[bflag:$0x0] =	sbarrier.arrive $0xFFFF  }
0x62: {  	s31 =	simm.s32 $0x2;
	[sflag:s2] =	ssyncpa.u1 $0x1  }
0x63: {  	[sflag:s31] =	ssyncpa.u1 $0x1  }
0x64: {  	p0 =	sne.s32 s1, $0x0;
	_ =	strace $0x90000047  }
0x65: {  	s0 =	sadd.s32 @!p0 $0x100000, s0;
	[bflag:$0x2] =	sbarrier.arrive $0xFFFF  }
0x66: {  	[sflag:s0] =	ssyncadd.tile.s32 @!p0 $0x1;
	_ =	shalt  }
.Lfunc_end1:
_tile_overlayer_lowered:
.L_overlay_start_2:
0x67: {  	(tag) =	ssettag $0x2  }
0x68: {  	s0 =	rddreg [dreg:$0x0];
	s2 =	stileid.u32  }
0x69: {  	s1 =	rddreg [dreg:$0x1];
	p0 =	sne.s32 s2, $0x0  }
0x6a: {  	s3 =	rddreg [dreg:$0x2];
	[bflag:$0x3] =	sbarrier.arrive $0xFFFF;
	s2 =	simm.s32 @!p0 $0x1C01  }
0x6b: {  	[timem:s3], [sflag:s2] =	dma.local @!p0 [hbm:s0], s1  }
0x6c: {  	s0 =	simm.s32 @!p0 $0x1  }
0x6d: {  	_ =	swait.ge @!p0 [sflag:s0], s1  }
0x6e: {  	s1 =	ssub.s32 @!p0 $0x0, s1;
	[sflag:s0] =	ssyncset.done @!p0 $0x0  }
0x6f: {  	[sflag:s0] =	ssyncadd.s32 @!p0 s1  }
0x70: {  	[bflag:$0x3] =	sbarrier.arrive $0xFFFF  }
0x71: {  	_ =	shalt  }

</sc_bundles>
